<compile_context>
chip_gen: v7x
topology: tpu7x:2x2x1
jax: 0.10.2.dev20260603
libtpu: 0.0.44.dev20260713+nightly
codegen_flags: <defaults>
</compile_context>

<pallas_src>
import functools

import jax
import jax.numpy as jnp
from jax import lax
from jax.experimental import pallas as pl
from jax.experimental.pallas import tpu as pltpu
from jax.experimental.pallas import tpu_sc as plsc

_HIDDEN = 1000
_BATCH = 4096
_SEQ = 26
_NC = 2
_NS = 16
_NW = _NC * _NS
_PPW = _BATCH // _NW
_IPW = _PPW * _SEQ
_TAIL = _SEQ - 16


def _build_sc_kernel():
    mesh = plsc.VectorSubcoreMesh(core_axis_name="c", subcore_axis_name="s")

    @functools.partial(
        pl.kernel,
        mesh=mesh,
        compiler_params=pltpu.CompilerParams(needs_layout_passes=False),
        out_type=jax.ShapeDtypeStruct((_BATCH, _SEQ, _HIDDEN), jnp.float32),
        scratch_types=[
            pltpu.VMEM((_SEQ, _HIDDEN), jnp.float32),
            pltpu.VMEM((_SEQ, _HIDDEN), jnp.float32),
            pltpu.VMEM((_IPW + 16,), jnp.int32),
            pltpu.SemaphoreType.DMA,
            pltpu.SemaphoreType.DMA,
        ],
    )
    def onehot(x_hbm, out_hbm, buf0, buf1, idx_v, sem0, sem1):
        cid = lax.axis_index("c")
        sid = lax.axis_index("s")
        wid = sid * _NC + cid
        plane0 = wid * _PPW

        pltpu.sync_copy(x_hbm.at[pl.ds(plane0 * _SEQ, _IPW)],
                        idx_v.at[pl.ds(0, _IPW)])

        lane = lax.iota(jnp.int32, 16)
        zeros = jnp.zeros((16,), jnp.float32)
        ones = jnp.ones((16,), jnp.float32)
        tail8 = lane < 8

        def zero_row(j, carry):
            def zcol(c, carry2):
                buf0[j, pl.ds(c * 16, 16)] = zeros
                buf1[j, pl.ds(c * 16, 16)] = zeros
                return carry2

            lax.fori_loop(0, _HIDDEN // 16, zcol, 0)
            rowv = jnp.full((16,), 1, jnp.int32) * j
            colv = (_HIDDEN // 16) * 16 + lane
            plsc.store_scatter(buf0, [rowv, colv], zeros, mask=tail8)
            plsc.store_scatter(buf1, [rowv, colv], zeros, mask=tail8)
            return carry

        lax.fori_loop(0, _SEQ, zero_row, 0)

        tailmask = lane < _TAIL

        def put(buf, p, val):
            colv0 = idx_v[pl.ds(p * _SEQ, 16)]
            plsc.store_scatter(buf, [lane, colv0], val)
            colv1 = idx_v[pl.ds(p * _SEQ + 16, 16)]
            plsc.store_scatter(buf, [16 + lane, colv1], val, mask=tailmask)

        def start_copy(buf, p, sem):
            return pltpu.async_copy(buf, out_hbm.at[plane0 + p], sem)

        def wait_copy(buf, p, sem):
            pltpu.make_async_copy(buf, out_hbm.at[plane0 + p], sem).wait()

        put(buf0, 0, ones)
        start_copy(buf0, 0, sem0)
        put(buf1, 1, ones)
        start_copy(buf1, 1, sem1)

        def step(i, carry):
            p0 = 2 * i
            wait_copy(buf0, p0 - 2, sem0)
            put(buf0, p0 - 2, zeros)
            put(buf0, p0, ones)
            start_copy(buf0, p0, sem0)

            p1 = p0 + 1
            wait_copy(buf1, p1 - 2, sem1)
            put(buf1, p1 - 2, zeros)
            put(buf1, p1, ones)
            start_copy(buf1, p1, sem1)
            return carry

        lax.fori_loop(1, _PPW // 2, step, 0)

        wait_copy(buf0, _PPW - 2, sem0)
        wait_copy(buf1, _PPW - 1, sem1)

    return onehot


_sc_onehot = _build_sc_kernel()


def kernel(x):
    x_flat = x.reshape(-1).astype(jnp.int32)
    return _sc_onehot(x_flat)

# --- scband reference (transcript-rebuilt; emitter-appended) ---
"""Pipeline reference for scband-one-hot-embedding-9972914061858 (READ-ONLY COPY).

The authoritative reference and input builder live on the scoring server;
editing this copy changes nothing except your own understanding.
"""

import jax, jax.numpy as jnp
import numpy as np

HIDDEN_SIZE = 1000

def setup_inputs(seed: int = 0) -> dict:
    key = jax.random.key(seed)
    x = jax.random.randint(key, (4096, 26), 0, HIDDEN_SIZE, dtype=jnp.int64 if jax.config.jax_enable_x64 else jnp.int32)
    return {"x": x}

def reference(x) -> jnp.ndarray:
    # Faithful translation of F.one_hot(x, num_classes=hidden_size).float()
    out = jax.nn.one_hot(x, HIDDEN_SIZE, dtype=jnp.float32)
    return out

if __name__ == "__main__":
    import jax
    _d = setup_inputs()
    print(jax.jit(kernel)(*tuple(_d.values())))

</pallas_src>

<mosaic_0001>
#map = affine_map<(d0, d1) -> (0)>
#map1 = affine_map<(d0, d1) -> (0, 0, 0)>
module attributes {stable_mosaic.version = 14 : i64} {
  func.func @onehot(%arg0: i32, %arg1: i32, %arg2: memref<106496xi32, #tpu.memory_space<hbm>>, %arg3: memref<4096x26x1000xf32, #tpu.memory_space<hbm>>, %arg4: memref<26x1000xf32, #tpu.memory_space<vmem>>, %arg5: memref<26x1000xf32, #tpu.memory_space<vmem>>, %arg6: memref<3344xi32, #tpu.memory_space<vmem>>, %arg7: memref<!tpu.dma_semaphore, #tpu.memory_space<semaphore_mem>>, %arg8: memref<!tpu.dma_semaphore, #tpu.memory_space<semaphore_mem>>) attributes {dimension_semantics = [#tpu.dimension_semantics<core_parallel>, #tpu.dimension_semantics<subcore_parallel>], iteration_bounds = array<i64: 2, 16>, scalar_prefetch = 0 : i64, scratch_operands = 5 : i64, tpu.core_type = #tpu.core_type<sc_vector_subcore>, window_params = [{transform_indices = #map}, {transform_indices = #map1}]} {
    %mul3A = arith.constant 2 : i32
    %mul3A_0 = arith.muli %arg1, %mul3A : i32
    %add3A = arith.addi %mul3A_0, %arg0 : i32
    %mul3A_1 = arith.constant 128 : i32
    %mul3A_2 = arith.muli %add3A, %mul3A_1 : i32
    %mul3A_3 = arith.constant 26 : i32
    %mul3A_4 = arith.muli %mul3A_2, %mul3A_3 : i32
    "tpu.region"() ({
      %run_scoped3A = tpu.sem_alloc : memref<!tpu.dma_semaphore, #tpu.memory_space<semaphore_mem>>
      %dma_start3A_75 = arith.constant 0 : i32
      %dma_start3A_76 = tpu.memref_slice %arg6[%dma_start3A_75] : memref<3344xi32, #tpu.memory_space<vmem>> -> memref<3328xi32, #tpu.memory_space<vmem>>
      %dma_start3A_77 = tpu.memref_slice %arg2[%mul3A_4] : memref<106496xi32, #tpu.memory_space<hbm>> -> memref<3328xi32, #tpu.memory_space<hbm>>
      %dma_start3A_78 = arith.constant 0 : i32
      %dma_start3A_79 = tpu.memref_slice %arg6[%dma_start3A_78] : memref<3344xi32, #tpu.memory_space<vmem>> -> memref<3328xi32, #tpu.memory_space<vmem>>
      %dma_start3A_80 = tpu.memref_slice %arg2[%mul3A_4] : memref<106496xi32, #tpu.memory_space<hbm>> -> memref<3328xi32, #tpu.memory_space<hbm>>
      tpu.enqueue_dma source(%dma_start3A_80 : memref<3328xi32, #tpu.memory_space<hbm>>) target(%dma_start3A_79 : memref<3328xi32, #tpu.memory_space<vmem>>) target_semaphore(%run_scoped3A : memref<!tpu.dma_semaphore, #tpu.memory_space<semaphore_mem>>)
      %dma_wait3A_81 = arith.constant 0 : i32
      %dma_wait3A_82 = tpu.memref_slice %arg6[%dma_wait3A_81] : memref<3344xi32, #tpu.memory_space<vmem>> -> memref<3328xi32, #tpu.memory_space<vmem>>
      %dma_wait3A_83 = tpu.memref_slice %arg2[%mul3A_4] : memref<106496xi32, #tpu.memory_space<hbm>> -> memref<3328xi32, #tpu.memory_space<hbm>>
      %dma_wait3A_84 = arith.constant 0 : i32
      %dma_wait3A_85 = tpu.memref_slice %arg6[%dma_wait3A_84] : memref<3344xi32, #tpu.memory_space<vmem>> -> memref<3328xi32, #tpu.memory_space<vmem>>
      %dma_wait3A_86 = tpu.memref_slice %arg2[%mul3A_4] : memref<106496xi32, #tpu.memory_space<hbm>> -> memref<3328xi32, #tpu.memory_space<hbm>>
      tpu.wait_dma2 semaphore(%run_scoped3A : memref<!tpu.dma_semaphore, #tpu.memory_space<semaphore_mem>>) src(%dma_wait3A_86 : memref<3328xi32, #tpu.memory_space<hbm>>) dst(%dma_wait3A_85 : memref<3328xi32, #tpu.memory_space<vmem>>)
      tpu.yield
    }) : () -> ()
    %iota3A = tpu.iota {dimensions = array<i32: 0>} : vector<16xi32>
    %broadcast_in_dim3A = arith.constant 0.000000e+00 : f32
    %broadcast_in_dim3A_5 = vector.broadcast %broadcast_in_dim3A : f32 to vector<16xf32>
    %broadcast_in_dim3A_6 = arith.constant 1.000000e+00 : f32
    %broadcast_in_dim3A_7 = vector.broadcast %broadcast_in_dim3A_6 : f32 to vector<16xf32>
    %lt3A = arith.constant 8 : i32
    %lt3A_8 = vector.broadcast %lt3A : i32 to vector<16xi32>
    %lt3A_9 = arith.cmpi slt, %iota3A, %lt3A_8 : vector<16xi32>
    %scan3A = arith.constant 0 : i32
    %scan3A_10 = arith.constant 0 : i32
    %scan3A_11 = arith.constant 26 : i32
    %scan3A_12 = arith.addi %scan3A_10, %scan3A_11 : i32
    %scan3A_13 = arith.constant 1 : i32
    scf.for %scan3A_75 = %scan3A_10 to %scan3A_12 step %scan3A_13  : i32 {
      %scan3A_76 = arith.constant 0 : i32
      %scan3A_77 = arith.constant 0 : i32
      %scan3A_78 = arith.constant 62 : i32
      %scan3A_79 = arith.addi %scan3A_77, %scan3A_78 : i32
      %scan3A_80 = arith.constant 1 : i32
      scf.for %scan3A_89 = %scan3A_77 to %scan3A_79 step %scan3A_80  : i32 {
        %mul3A_90 = arith.constant 16 : i32
        %mul3A_91 = arith.muli %scan3A_89, %mul3A_90 : i32
        %swap3A = arith.index_cast %scan3A_75 : i32 to index
        %swap3A_92 = arith.index_cast %mul3A_91 : i32 to index
        %swap3A_93 = tpu.vector_load %arg4[%swap3A, %swap3A_92] {strides = array<i32>} : memref<26x1000xf32, #tpu.memory_space<vmem>>, vector<16xf32>,
        tpu.vector_store %arg4[%swap3A, %swap3A_92], %broadcast_in_dim3A_5 {strides = array<i32>} : memref<26x1000xf32, #tpu.memory_space<vmem>>, vector<16xf32>,
        %mul3A_94 = arith.constant 16 : i32
        %mul3A_95 = arith.muli %scan3A_89, %mul3A_94 : i32
        %swap3A_96 = arith.index_cast %scan3A_75 : i32 to index
        %swap3A_97 = arith.index_cast %mul3A_95 : i32 to index
        %swap3A_98 = tpu.vector_load %arg5[%swap3A_96, %swap3A_97] {strides = array<i32>} : memref<26x1000xf32, #tpu.memory_space<vmem>>, vector<16xf32>,
        tpu.vector_store %arg5[%swap3A_96, %swap3A_97], %broadcast_in_dim3A_5 {strides = array<i32>} : memref<26x1000xf32, #tpu.memory_space<vmem>>, vector<16xf32>,
      }
      %scan3A_81 = arith.constant 62 : i32
      %broadcast_in_dim3A_82 = arith.constant 1 : i32
      %broadcast_in_dim3A_83 = vector.broadcast %broadcast_in_dim3A_82 : i32 to vector<16xi32>
      %mul3A_84 = vector.broadcast %scan3A_75 : i32 to vector<16xi32>
      %mul3A_85 = arith.muli %broadcast_in_dim3A_83, %mul3A_84 : vector<16xi32>
      %add3A_86 = arith.constant 992 : i32
      %add3A_87 = vector.broadcast %add3A_86 : i32 to vector<16xi32>
      %add3A_88 = arith.addi %add3A_87, %iota3A : vector<16xi32>
      tpu.vector_store_idx %arg4[%mul3A_85, %add3A_88], %broadcast_in_dim3A_5 masked %lt3A_9 : memref<26x1000xf32, #tpu.memory_space<vmem>>[vector<16xi32>, vector<16xi32>], vector<16xf32>, vector<16xi1>
      tpu.vector_store_idx %arg5[%mul3A_85, %add3A_88], %broadcast_in_dim3A_5 masked %lt3A_9 : memref<26x1000xf32, #tpu.memory_space<vmem>>[vector<16xi32>, vector<16xi32>], vector<16xf32>, vector<16xi1>
    }
    %scan3A_14 = arith.constant 26 : i32
    %lt3A_15 = arith.constant 10 : i32
    %lt3A_16 = vector.broadcast %lt3A_15 : i32 to vector<16xi32>
    %lt3A_17 = arith.cmpi slt, %iota3A, %lt3A_16 : vector<16xi32>
    %get3A = arith.constant 0 : index
    %get3A_18 = tpu.vector_load %arg6[%get3A] {strides = array<i32>} : memref<3344xi32, #tpu.memory_space<vmem>>, vector<16xi32>,
    tpu.vector_store_idx %arg4[%iota3A, %get3A_18], %broadcast_in_dim3A_7 : memref<26x1000xf32, #tpu.memory_space<vmem>>[vector<16xi32>, vector<16xi32>], vector<16xf32>,
    %get3A_19 = arith.constant 16 : index
    %get3A_20 = tpu.vector_load %arg6[%get3A_19] {strides = array<i32>} : memref<3344xi32, #tpu.memory_space<vmem>>, vector<16xi32>,
    %add3A_21 = arith.constant 16 : i32
    %add3A_22 = vector.broadcast %add3A_21 : i32 to vector<16xi32>
    %add3A_23 = arith.addi %add3A_22, %iota3A : vector<16xi32>
    tpu.vector_store_idx %arg4[%add3A_23, %get3A_20], %broadcast_in_dim3A_7 masked %lt3A_17 : memref<26x1000xf32, #tpu.memory_space<vmem>>[vector<16xi32>, vector<16xi32>], vector<16xf32>, vector<16xi1>
    %add3A_24 = arith.constant 0 : i32
    %add3A_25 = arith.addi %mul3A_2, %add3A_24 : i32
    %dma_start3A = arith.constant 0 : i32
    %dma_start3A_26 = arith.constant 0 : i32
    %dma_start3A_27 = tpu.memref_slice %arg3[%add3A_25, %dma_start3A, %dma_start3A_26] : memref<4096x26x1000xf32, #tpu.memory_space<hbm>> -> memref<1x26x1000xf32, #tpu.memory_space<hbm>>
    %dma_start3A_28 = tpu.memref_squeeze %dma_start3A_27 : memref<1x26x1000xf32, #tpu.memory_space<hbm>> -> memref<26x1000xf32, #tpu.memory_space<hbm>>
    %dma_start3A_29 = arith.constant 0 : i32
    %dma_start3A_30 = arith.constant 0 : i32
    %dma_start3A_31 = tpu.memref_slice %arg3[%add3A_25, %dma_start3A_29, %dma_start3A_30] : memref<4096x26x1000xf32, #tpu.memory_space<hbm>> -> memref<1x26x1000xf32, #tpu.memory_space<hbm>>
    %dma_start3A_32 = tpu.memref_squeeze %dma_start3A_31 : memref<1x26x1000xf32, #tpu.memory_space<hbm>> -> memref<26x1000xf32, #tpu.memory_space<hbm>>
    tpu.enqueue_dma source(%arg4 : memref<26x1000xf32, #tpu.memory_space<vmem>>) target(%dma_start3A_32 : memref<26x1000xf32, #tpu.memory_space<hbm>>) target_semaphore(%arg7 : memref<!tpu.dma_semaphore, #tpu.memory_space<semaphore_mem>>)
    %get3A_33 = arith.constant 26 : index
    %get3A_34 = tpu.vector_load %arg6[%get3A_33] {strides = array<i32>} : memref<3344xi32, #tpu.memory_space<vmem>>, vector<16xi32>,
    tpu.vector_store_idx %arg5[%iota3A, %get3A_34], %broadcast_in_dim3A_7 : memref<26x1000xf32, #tpu.memory_space<vmem>>[vector<16xi32>, vector<16xi32>], vector<16xf32>,
    %get3A_35 = arith.constant 42 : index
    %get3A_36 = tpu.vector_load %arg6[%get3A_35] {strides = array<i32>} : memref<3344xi32, #tpu.memory_space<vmem>>, vector<16xi32>,
    %add3A_37 = arith.constant 16 : i32
    %add3A_38 = vector.broadcast %add3A_37 : i32 to vector<16xi32>
    %add3A_39 = arith.addi %add3A_38, %iota3A : vector<16xi32>
    tpu.vector_store_idx %arg5[%add3A_39, %get3A_36], %broadcast_in_dim3A_7 masked %lt3A_17 : memref<26x1000xf32, #tpu.memory_space<vmem>>[vector<16xi32>, vector<16xi32>], vector<16xf32>, vector<16xi1>
    %add3A_40 = arith.constant 1 : i32
    %add3A_41 = arith.addi %mul3A_2, %add3A_40 : i32
    %dma_start3A_42 = arith.constant 0 : i32
    %dma_start3A_43 = arith.constant 0 : i32
    %dma_start3A_44 = tpu.memref_slice %arg3[%add3A_41, %dma_start3A_42, %dma_start3A_43] : memref<4096x26x1000xf32, #tpu.memory_space<hbm>> -> memref<1x26x1000xf32, #tpu.memory_space<hbm>>
    %dma_start3A_45 = tpu.memref_squeeze %dma_start3A_44 : memref<1x26x1000xf32, #tpu.memory_space<hbm>> -> memref<26x1000xf32, #tpu.memory_space<hbm>>
    %dma_start3A_46 = arith.constant 0 : i32
    %dma_start3A_47 = arith.constant 0 : i32
    %dma_start3A_48 = tpu.memref_slice %arg3[%add3A_41, %dma_start3A_46, %dma_start3A_47] : memref<4096x26x1000xf32, #tpu.memory_space<hbm>> -> memref<1x26x1000xf32, #tpu.memory_space<hbm>>
    %dma_start3A_49 = tpu.memref_squeeze %dma_start3A_48 : memref<1x26x1000xf32, #tpu.memory_space<hbm>> -> memref<26x1000xf32, #tpu.memory_space<hbm>>
    tpu.enqueue_dma source(%arg5 : memref<26x1000xf32, #tpu.memory_space<vmem>>) target(%dma_start3A_49 : memref<26x1000xf32, #tpu.memory_space<hbm>>) target_semaphore(%arg8 : memref<!tpu.dma_semaphore, #tpu.memory_space<semaphore_mem>>)
    %scan3A_50 = arith.constant 0 : i32
    %scan3A_51 = arith.constant 1 : i32
    %scan3A_52 = arith.constant 63 : i32
    %scan3A_53 = arith.addi %scan3A_51, %scan3A_52 : i32
    %scan3A_54 = arith.constant 1 : i32
    scf.for %scan3A_75 = %scan3A_51 to %scan3A_53 step %scan3A_54  : i32 {
      %mul3A_76 = arith.constant 2 : i32
      %mul3A_77 = arith.muli %mul3A_76, %scan3A_75 : i32
      %sub3A = arith.constant 2 : i32
      %sub3A_78 = arith.subi %mul3A_77, %sub3A : i32
      %add3A_79 = arith.addi %mul3A_2, %sub3A_78 : i32
      %dma_wait3A_80 = arith.constant 0 : i32
      %dma_wait3A_81 = arith.constant 0 : i32
      %dma_wait3A_82 = tpu.memref_slice %arg3[%add3A_79, %dma_wait3A_80, %dma_wait3A_81] : memref<4096x26x1000xf32, #tpu.memory_space<hbm>> -> memref<1x26x1000xf32, #tpu.memory_space<hbm>>
      %dma_wait3A_83 = tpu.memref_squeeze %dma_wait3A_82 : memref<1x26x1000xf32, #tpu.memory_space<hbm>> -> memref<26x1000xf32, #tpu.memory_space<hbm>>
      %dma_wait3A_84 = arith.constant 0 : i32
      %dma_wait3A_85 = arith.constant 0 : i32
      %dma_wait3A_86 = tpu.memref_slice %arg3[%add3A_79, %dma_wait3A_84, %dma_wait3A_85] : memref<4096x26x1000xf32, #tpu.memory_space<hbm>> -> memref<1x26x1000xf32, #tpu.memory_space<hbm>>
      %dma_wait3A_87 = tpu.memref_squeeze %dma_wait3A_86 : memref<1x26x1000xf32, #tpu.memory_space<hbm>> -> memref<26x1000xf32, #tpu.memory_space<hbm>>
      tpu.wait_dma2 semaphore(%arg7 : memref<!tpu.dma_semaphore, #tpu.memory_space<semaphore_mem>>) src(%arg4 : memref<26x1000xf32, #tpu.memory_space<vmem>>) dst(%dma_wait3A_87 : memref<26x1000xf32, #tpu.memory_space<hbm>>)
      %sub3A_88 = arith.constant 2 : i32
      %sub3A_89 = arith.subi %mul3A_77, %sub3A_88 : i32
      %mul3A_90 = arith.constant 26 : i32
      %mul3A_91 = arith.muli %sub3A_89, %mul3A_90 : i32
      %get3A_92 = arith.index_cast %mul3A_91 : i32 to index
      %get3A_93 = tpu.vector_load %arg6[%get3A_92] {strides = array<i32>} : memref<3344xi32, #tpu.memory_space<vmem>>, vector<16xi32>,
      tpu.vector_store_idx %arg4[%iota3A, %get3A_93], %broadcast_in_dim3A_5 : memref<26x1000xf32, #tpu.memory_space<vmem>>[vector<16xi32>, vector<16xi32>], vector<16xf32>,
      %mul3A_94 = arith.constant 26 : i32
      %mul3A_95 = arith.muli %sub3A_89, %mul3A_94 : i32
      %add3A_96 = arith.constant 16 : i32
      %add3A_97 = arith.addi %mul3A_95, %add3A_96 : i32
      %get3A_98 = arith.index_cast %add3A_97 : i32 to index
      %get3A_99 = tpu.vector_load %arg6[%get3A_98] {strides = array<i32>} : memref<3344xi32, #tpu.memory_space<vmem>>, vector<16xi32>,
      %add3A_100 = arith.constant 16 : i32
      %add3A_101 = vector.broadcast %add3A_100 : i32 to vector<16xi32>
      %add3A_102 = arith.addi %add3A_101, %iota3A : vector<16xi32>
      tpu.vector_store_idx %arg4[%add3A_102, %get3A_99], %broadcast_in_dim3A_5 masked %lt3A_17 : memref<26x1000xf32, #tpu.memory_space<vmem>>[vector<16xi32>, vector<16xi32>], vector<16xf32>, vector<16xi1>
      %mul3A_103 = arith.constant 26 : i32
      %mul3A_104 = arith.muli %mul3A_77, %mul3A_103 : i32
      %get3A_105 = arith.index_cast %mul3A_104 : i32 to index
      %get3A_106 = tpu.vector_load %arg6[%get3A_105] {strides = array<i32>} : memref<3344xi32, #tpu.memory_space<vmem>>, vector<16xi32>,
      tpu.vector_store_idx %arg4[%iota3A, %get3A_106], %broadcast_in_dim3A_7 : memref<26x1000xf32, #tpu.memory_space<vmem>>[vector<16xi32>, vector<16xi32>], vector<16xf32>,
      %mul3A_107 = arith.constant 26 : i32
      %mul3A_108 = arith.muli %mul3A_77, %mul3A_107 : i32
      %add3A_109 = arith.constant 16 : i32
      %add3A_110 = arith.addi %mul3A_108, %add3A_109 : i32
      %get3A_111 = arith.index_cast %add3A_110 : i32 to index
      %get3A_112 = tpu.vector_load %arg6[%get3A_111] {strides = array<i32>} : memref<3344xi32, #tpu.memory_space<vmem>>, vector<16xi32>,
      %add3A_113 = arith.constant 16 : i32
      %add3A_114 = vector.broadcast %add3A_113 : i32 to vector<16xi32>
      %add3A_115 = arith.addi %add3A_114, %iota3A : vector<16xi32>
      tpu.vector_store_idx %arg4[%add3A_115, %get3A_112], %broadcast_in_dim3A_7 masked %lt3A_17 : memref<26x1000xf32, #tpu.memory_space<vmem>>[vector<16xi32>, vector<16xi32>], vector<16xf32>, vector<16xi1>
      %add3A_116 = arith.addi %mul3A_2, %mul3A_77 : i32
      %dma_start3A_117 = arith.constant 0 : i32
      %dma_start3A_118 = arith.constant 0 : i32
      %dma_start3A_119 = tpu.memref_slice %arg3[%add3A_116, %dma_start3A_117, %dma_start3A_118] : memref<4096x26x1000xf32, #tpu.memory_space<hbm>> -> memref<1x26x1000xf32, #tpu.memory_space<hbm>>
      %dma_start3A_120 = tpu.memref_squeeze %dma_start3A_119 : memref<1x26x1000xf32, #tpu.memory_space<hbm>> -> memref<26x1000xf32, #tpu.memory_space<hbm>>
      %dma_start3A_121 = arith.constant 0 : i32
      %dma_start3A_122 = arith.constant 0 : i32
      %dma_start3A_123 = tpu.memref_slice %arg3[%add3A_116, %dma_start3A_121, %dma_start3A_122] : memref<4096x26x1000xf32, #tpu.memory_space<hbm>> -> memref<1x26x1000xf32, #tpu.memory_space<hbm>>
      %dma_start3A_124 = tpu.memref_squeeze %dma_start3A_123 : memref<1x26x1000xf32, #tpu.memory_space<hbm>> -> memref<26x1000xf32, #tpu.memory_space<hbm>>
      tpu.enqueue_dma source(%arg4 : memref<26x1000xf32, #tpu.memory_space<vmem>>) target(%dma_start3A_124 : memref<26x1000xf32, #tpu.memory_space<hbm>>) target_semaphore(%arg7 : memref<!tpu.dma_semaphore, #tpu.memory_space<semaphore_mem>>)
      %add3A_125 = arith.constant 1 : i32
      %add3A_126 = arith.addi %mul3A_77, %add3A_125 : i32
      %sub3A_127 = arith.constant 2 : i32
      %sub3A_128 = arith.subi %add3A_126, %sub3A_127 : i32
      %add3A_129 = arith.addi %mul3A_2, %sub3A_128 : i32
      %dma_wait3A_130 = arith.constant 0 : i32
      %dma_wait3A_131 = arith.constant 0 : i32
      %dma_wait3A_132 = tpu.memref_slice %arg3[%add3A_129, %dma_wait3A_130, %dma_wait3A_131] : memref<4096x26x1000xf32, #tpu.memory_space<hbm>> -> memref<1x26x1000xf32, #tpu.memory_space<hbm>>
      %dma_wait3A_133 = tpu.memref_squeeze %dma_wait3A_132 : memref<1x26x1000xf32, #tpu.memory_space<hbm>> -> memref<26x1000xf32, #tpu.memory_space<hbm>>
      %dma_wait3A_134 = arith.constant 0 : i32
      %dma_wait3A_135 = arith.constant 0 : i32
      %dma_wait3A_136 = tpu.memref_slice %arg3[%add3A_129, %dma_wait3A_134, %dma_wait3A_135] : memref<4096x26x1000xf32, #tpu.memory_space<hbm>> -> memref<1x26x1000xf32, #tpu.memory_space<hbm>>
      %dma_wait3A_137 = tpu.memref_squeeze %dma_wait3A_136 : memref<1x26x1000xf32, #tpu.memory_space<hbm>> -> memref<26x1000xf32, #tpu.memory_space<hbm>>
      tpu.wait_dma2 semaphore(%arg8 : memref<!tpu.dma_semaphore, #tpu.memory_space<semaphore_mem>>) src(%arg5 : memref<26x1000xf32, #tpu.memory_space<vmem>>) dst(%dma_wait3A_137 : memref<26x1000xf32, #tpu.memory_space<hbm>>)
      %sub3A_138 = arith.constant 2 : i32
      %sub3A_139 = arith.subi %add3A_126, %sub3A_138 : i32
      %mul3A_140 = arith.constant 26 : i32
      %mul3A_141 = arith.muli %sub3A_139, %mul3A_140 : i32
      %get3A_142 = arith.index_cast %mul3A_141 : i32 to index
      %get3A_143 = tpu.vector_load %arg6[%get3A_142] {strides = array<i32>} : memref<3344xi32, #tpu.memory_space<vmem>>, vector<16xi32>,
      tpu.vector_store_idx %arg5[%iota3A, %get3A_143], %broadcast_in_dim3A_5 : memref<26x1000xf32, #tpu.memory_space<vmem>>[vector<16xi32>, vector<16xi32>], vector<16xf32>,
      %mul3A_144 = arith.constant 26 : i32
      %mul3A_145 = arith.muli %sub3A_139, %mul3A_144 : i32
      %add3A_146 = arith.constant 16 : i32
      %add3A_147 = arith.addi %mul3A_145, %add3A_146 : i32
      %get3A_148 = arith.index_cast %add3A_147 : i32 to index
      %get3A_149 = tpu.vector_load %arg6[%get3A_148] {strides = array<i32>} : memref<3344xi32, #tpu.memory_space<vmem>>, vector<16xi32>,
      %add3A_150 = arith.constant 16 : i32
      %add3A_151 = vector.broadcast %add3A_150 : i32 to vector<16xi32>
      %add3A_152 = arith.addi %add3A_151, %iota3A : vector<16xi32>
      tpu.vector_store_idx %arg5[%add3A_152, %get3A_149], %broadcast_in_dim3A_5 masked %lt3A_17 : memref<26x1000xf32, #tpu.memory_space<vmem>>[vector<16xi32>, vector<16xi32>], vector<16xf32>, vector<16xi1>
      %mul3A_153 = arith.constant 26 : i32
      %mul3A_154 = arith.muli %add3A_126, %mul3A_153 : i32
      %get3A_155 = arith.index_cast %mul3A_154 : i32 to index
      %get3A_156 = tpu.vector_load %arg6[%get3A_155] {strides = array<i32>} : memref<3344xi32, #tpu.memory_space<vmem>>, vector<16xi32>,
      tpu.vector_store_idx %arg5[%iota3A, %get3A_156], %broadcast_in_dim3A_7 : memref<26x1000xf32, #tpu.memory_space<vmem>>[vector<16xi32>, vector<16xi32>], vector<16xf32>,
      %mul3A_157 = arith.constant 26 : i32
      %mul3A_158 = arith.muli %add3A_126, %mul3A_157 : i32
      %add3A_159 = arith.constant 16 : i32
      %add3A_160 = arith.addi %mul3A_158, %add3A_159 : i32
      %get3A_161 = arith.index_cast %add3A_160 : i32 to index
      %get3A_162 = tpu.vector_load %arg6[%get3A_161] {strides = array<i32>} : memref<3344xi32, #tpu.memory_space<vmem>>, vector<16xi32>,
      %add3A_163 = arith.constant 16 : i32
      %add3A_164 = vector.broadcast %add3A_163 : i32 to vector<16xi32>
      %add3A_165 = arith.addi %add3A_164, %iota3A : vector<16xi32>
      tpu.vector_store_idx %arg5[%add3A_165, %get3A_162], %broadcast_in_dim3A_7 masked %lt3A_17 : memref<26x1000xf32, #tpu.memory_space<vmem>>[vector<16xi32>, vector<16xi32>], vector<16xf32>, vector<16xi1>
      %add3A_166 = arith.addi %mul3A_2, %add3A_126 : i32
      %dma_start3A_167 = arith.constant 0 : i32
      %dma_start3A_168 = arith.constant 0 : i32
      %dma_start3A_169 = tpu.memref_slice %arg3[%add3A_166, %dma_start3A_167, %dma_start3A_168] : memref<4096x26x1000xf32, #tpu.memory_space<hbm>> -> memref<1x26x1000xf32, #tpu.memory_space<hbm>>
      %dma_start3A_170 = tpu.memref_squeeze %dma_start3A_169 : memref<1x26x1000xf32, #tpu.memory_space<hbm>> -> memref<26x1000xf32, #tpu.memory_space<hbm>>
      %dma_start3A_171 = arith.constant 0 : i32
      %dma_start3A_172 = arith.constant 0 : i32
      %dma_start3A_173 = tpu.memref_slice %arg3[%add3A_166, %dma_start3A_171, %dma_start3A_172] : memref<4096x26x1000xf32, #tpu.memory_space<hbm>> -> memref<1x26x1000xf32, #tpu.memory_space<hbm>>
      %dma_start3A_174 = tpu.memref_squeeze %dma_start3A_173 : memref<1x26x1000xf32, #tpu.memory_space<hbm>> -> memref<26x1000xf32, #tpu.memory_space<hbm>>
      tpu.enqueue_dma source(%arg5 : memref<26x1000xf32, #tpu.memory_space<vmem>>) target(%dma_start3A_174 : memref<26x1000xf32, #tpu.memory_space<hbm>>) target_semaphore(%arg8 : memref<!tpu.dma_semaphore, #tpu.memory_space<semaphore_mem>>)
    }
    %scan3A_55 = arith.constant 63 : i32
    %add3A_56 = arith.constant 126 : i32
    %add3A_57 = arith.addi %mul3A_2, %add3A_56 : i32
    %dma_wait3A = arith.constant 0 : i32
    %dma_wait3A_58 = arith.constant 0 : i32
    %dma_wait3A_59 = tpu.memref_slice %arg3[%add3A_57, %dma_wait3A, %dma_wait3A_58] : memref<4096x26x1000xf32, #tpu.memory_space<hbm>> -> memref<1x26x1000xf32, #tpu.memory_space<hbm>>
    %dma_wait3A_60 = tpu.memref_squeeze %dma_wait3A_59 : memref<1x26x1000xf32, #tpu.memory_space<hbm>> -> memref<26x1000xf32, #tpu.memory_space<hbm>>
    %dma_wait3A_61 = arith.constant 0 : i32
    %dma_wait3A_62 = arith.constant 0 : i32
    %dma_wait3A_63 = tpu.memref_slice %arg3[%add3A_57, %dma_wait3A_61, %dma_wait3A_62] : memref<4096x26x1000xf32, #tpu.memory_space<hbm>> -> memref<1x26x1000xf32, #tpu.memory_space<hbm>>
    %dma_wait3A_64 = tpu.memref_squeeze %dma_wait3A_63 : memref<1x26x1000xf32, #tpu.memory_space<hbm>> -> memref<26x1000xf32, #tpu.memory_space<hbm>>
    tpu.wait_dma2 semaphore(%arg7 : memref<!tpu.dma_semaphore, #tpu.memory_space<semaphore_mem>>) src(%arg4 : memref<26x1000xf32, #tpu.memory_space<vmem>>) dst(%dma_wait3A_64 : memref<26x1000xf32, #tpu.memory_space<hbm>>)
    %add3A_65 = arith.constant 127 : i32
    %add3A_66 = arith.addi %mul3A_2, %add3A_65 : i32
    %dma_wait3A_67 = arith.constant 0 : i32
    %dma_wait3A_68 = arith.constant 0 : i32
    %dma_wait3A_69 = tpu.memref_slice %arg3[%add3A_66, %dma_wait3A_67, %dma_wait3A_68] : memref<4096x26x1000xf32, #tpu.memory_space<hbm>> -> memref<1x26x1000xf32, #tpu.memory_space<hbm>>
    %dma_wait3A_70 = tpu.memref_squeeze %dma_wait3A_69 : memref<1x26x1000xf32, #tpu.memory_space<hbm>> -> memref<26x1000xf32, #tpu.memory_space<hbm>>
    %dma_wait3A_71 = arith.constant 0 : i32
    %dma_wait3A_72 = arith.constant 0 : i32
    %dma_wait3A_73 = tpu.memref_slice %arg3[%add3A_66, %dma_wait3A_71, %dma_wait3A_72] : memref<4096x26x1000xf32, #tpu.memory_space<hbm>> -> memref<1x26x1000xf32, #tpu.memory_space<hbm>>
    %dma_wait3A_74 = tpu.memref_squeeze %dma_wait3A_73 : memref<1x26x1000xf32, #tpu.memory_space<hbm>> -> memref<26x1000xf32, #tpu.memory_space<hbm>>
    tpu.wait_dma2 semaphore(%arg8 : memref<!tpu.dma_semaphore, #tpu.memory_space<semaphore_mem>>) src(%arg5 : memref<26x1000xf32, #tpu.memory_space<vmem>>) dst(%dma_wait3A_74 : memref<26x1000xf32, #tpu.memory_space<hbm>>)
    return
  }
}

</mosaic_0001>

<sc_bundles>
// kernel: kernel.3.cloned.1.call-start
scs
__scs_entry_jumppad:
0x0: {  	(pc) =	sbr.rel $0x88, $3  }
0x1: {  	(tag) =	ssettag $0x0;
	lr =	simm.s32 $0x1  }
0x2: {  	[smem:$0x3FA0] =	sst lr;
	_ =	strace $0xD0000000  }
0x3: {  	_ = 	snop  }
0x4: {  	_ = 	snop  }
0x5: {  	_ = 	snop  }
0x6: {  	_ = 	snop  }
0x7: {  	_ = 	snop  }
__scs_overlays_trampoline_lowered:
0x8: {  	[smem:$0x3FAF] =	sst s0  }
0x9: {  	[smem:$0x3FB0] =	sst s1  }
0xa: {  	[smem:$0x3FB1] =	sst s2  }
0xb: {  	[smem:$0x3FB2] =	sst s3  }
0xc: {  	[smem:$0x3FB3] =	sst s4  }
0xd: {  	[smem:$0x3FB4] =	sst s5  }
0xe: {  	[smem:$0x3FB5] =	sst s6  }
0xf: {  	[smem:$0x3FB6] =	sst s7  }
0x10: {  	[smem:$0x3FB7] =	sst s8  }
0x11: {  	[smem:$0x3FB8] =	sst s9;
	s0 =	simm.s32 @!p0 $0x0  }
0x12: {  	s1 =	sld [smem:$0x3F9E];
	s0 =	simm.s32 @p0 $0x1  }
0x13: {  	[smem:$0x3FB9] =	sst s0;
	s0 =	simm.s32 @!p1 $0x0  }
0x14: {  	s2 =	sld [smem:$0x3F9D];
	s0 =	simm.s32 @p1 $0x1  }
0x15: {  	[smem:$0x3FBA] =	sst s0;
	s0 =	simm.s32 @!p2 $0x0  }
0x16: {  	s3 =	sld [smem:$0x3FDB];
	s0 =	simm.s32 @p2 $0x1  }
0x17: {  	s4 =	simm.s32 $0x1BF5;
	[smem:$0x3FBC] =	sst s0  }
0x18: {  	s0 =	sld [smem:$0x3F9F];
	_ =	swait.ge [sflag:s4], $0x0  }
0x19: {  	s7 =	sld [smem:$0x3FA0]  }
0x1a: {  	s8 =	sadd.s32 $0xFFFFE003, lr  }
0x1b: {  	s9 =	sadd.s32 $0xFFFFFEF7, lr;
	s5 =	simm.s32 $0xFFFFFFFF;
	p2 =	slt.u32 s8, $0xFFFFF086  }
0x1c: {  	p1 =	slt.u32 s9, $0xF7A;
	s5 =	simm.s32 @!p2 $0x0  }
0x1d: {  	s5 =	simm.s32 @p1 $0x1;
	p0 =	seq.s32 s7, s2  }
0x1e: {  	s7 =	smul.u32 @!p0 $0xF7A, s2;
	p2 =	seq.s32 @!p0 s5, $0x0  }
0x1f: {  	s9 =	smul.u32 $0xF7A, s1;
	s8 =	simm.s32 @!p0 $0x1BF5;
	p2 =	por !p2, p0  }
0x20: {  	[sflag:s8] =	ssyncset.s32 @!p0 $0xFFFFF086;
	s6 =	sadd.s32 @!p0 s3, s7;
	s7 =	simm.s32 @!p0 $0x108  }
0x21: {  	s3 =	sadd.s32 s3, s9;
	s6 =	sadd.s32 @!p0 $0x88, s6;
	s7 =	simm.s32 @p2 $0x1082  }
0x22: {  	[simem:s7], [sflag:s8] =	dma.local @!p0 [hbm:s6], $0xF7A  }
0x23: {  	s9 =	sor.u32 $0xD0000000, s2;
	s6 =	simm.s32 $0x108;
	_ =	swait.ge @!p0 [sflag:s8], $0x0  }
0x24: {  	s3 =	sadd.s32 $0x88, s3;
	s6 =	simm.s32 @!p1 $0x1082;
	[sflag:s4] =	ssyncset.s32 $0xFFFFF086  }
0x25: {  	[simem:s6], [sflag:s4] =	dma.local [hbm:s3], $0xF7A  }
0x26: {  	[smem:$0x3FA0] =	sst s1;
	(tag) =	ssettag s2;
	_ =	strace s9  }
0x27: {  	s1 =	sld [smem:$0x3FB0]  }
0x28: {  	s2 =	sld [smem:$0x3FB1]  }
0x29: {  	s4 =	sld [smem:$0x3FB3]  }
0x2a: {  	p0 =	seq.s32 s5, $0x0;
	s5 =	sld [smem:$0x3FB4]  }
0x2b: {  	s6 =	sld [smem:$0x3FB5]  }
0x2c: {  	s7 =	sld [smem:$0x3FB6]  }
0x2d: {  	s3 =	simm.s32 $0x108;
	s8 =	sld [smem:$0x3FB7]  }
0x2e: {  	s3 =	simm.s32 @!p0 $0x1082;
	s9 =	sld [smem:$0x3FB8]  }
0x2f: {  	lr =	sadd.s32 s0, s3;
	s0 =	sld [smem:$0x3FAF]  }
0x30: {  	s3 =	sld [smem:$0x3FB2]  }
0x31: {  	[smem:$0x3FBB] =	sst s10  }
0x32: {  	s10 =	sld [smem:$0x3FB9];
	_ =	sdelay $0x3  }
0x33: {  	p0 =	seq.s32 s10, $0x1;
	s10 =	sld [smem:$0x3FBB];
	_ =	sdelay $0x3  }
0x34: {  	[smem:$0x3FBB] =	sst s10  }
0x35: {  	s10 =	sld [smem:$0x3FBA];
	_ =	sdelay $0x3  }
0x36: {  	p1 =	seq.s32 s10, $0x1;
	s10 =	sld [smem:$0x3FBB];
	_ =	sdelay $0x3  }
0x37: {  	[smem:$0x3FBB] =	sst s10  }
0x38: {  	s10 =	sld [smem:$0x3FBC]  }
0x39: {  	_ = 	snop;
	(pc) =	sbr.ind lr, $3  }
0x3a: {  	_ = 	snop  }
0x3b: {  	_ = 	snop  }
0x3c: {  	p2 =	seq.s32 s10, $0x1;
	s10 =	sld [smem:$0x3FBB]  }
0x3d: {  	_ =	shalt  }
0x3e: {  	_ =	shalt  }
0x3f: {  	_ =	shalt  }
0x40: {  	_ =	shalt  }
0x41: {  	_ =	shalt  }
0x42: {  	_ =	shalt  }
0x43: {  	_ =	shalt  }
0x44: {  	_ =	shalt  }
0x45: {  	_ =	shalt  }
0x46: {  	_ =	shalt  }
0x47: {  	_ =	shalt  }
0x48: {  	_ =	shalt  }
0x49: {  	_ =	shalt  }
0x4a: {  	_ =	shalt  }
0x4b: {  	_ =	shalt  }
0x4c: {  	_ =	shalt  }
0x4d: {  	_ =	shalt  }
0x4e: {  	_ =	shalt  }
0x4f: {  	_ =	shalt  }
0x50: {  	_ =	shalt  }
0x51: {  	_ =	shalt  }
0x52: {  	_ =	shalt  }
0x53: {  	_ =	shalt  }
0x54: {  	_ =	shalt  }
0x55: {  	_ =	shalt  }
0x56: {  	_ =	shalt  }
0x57: {  	_ =	shalt  }
0x58: {  	_ =	shalt  }
0x59: {  	_ =	shalt  }
0x5a: {  	_ =	shalt  }
0x5b: {  	_ =	shalt  }
0x5c: {  	_ =	shalt  }
0x5d: {  	_ =	shalt  }
0x5e: {  	_ =	shalt  }
0x5f: {  	_ =	shalt  }
0x60: {  	_ =	shalt  }
0x61: {  	_ =	shalt  }
0x62: {  	_ =	shalt  }
0x63: {  	_ =	shalt  }
0x64: {  	_ =	shalt  }
0x65: {  	_ =	shalt  }
0x66: {  	_ =	shalt  }
0x67: {  	_ =	shalt  }
0x68: {  	_ =	shalt  }
0x69: {  	_ =	shalt  }
0x6a: {  	_ =	shalt  }
0x6b: {  	_ =	shalt  }
0x6c: {  	_ =	shalt  }
0x6d: {  	_ =	shalt  }
0x6e: {  	_ =	shalt  }
0x6f: {  	_ =	shalt  }
0x70: {  	_ =	shalt  }
0x71: {  	_ =	shalt  }
0x72: {  	_ =	shalt  }
0x73: {  	_ =	shalt  }
0x74: {  	_ =	shalt  }
0x75: {  	_ =	shalt  }
0x76: {  	_ =	shalt  }
0x77: {  	_ =	shalt  }
0x78: {  	_ =	shalt  }
0x79: {  	_ =	shalt  }
0x7a: {  	_ =	shalt  }
0x7b: {  	_ =	shalt  }
0x7c: {  	_ =	shalt  }
0x7d: {  	_ =	shalt  }
0x7e: {  	_ =	shalt  }
0x7f: {  	_ =	shalt  }
0x80: {  	_ =	shalt  }
0x81: {  	_ =	shalt  }
0x82: {  	_ =	shalt  }
0x83: {  	_ =	shalt  }
0x84: {  	_ =	shalt  }
0x85: {  	_ =	shalt  }
0x86: {  	_ =	shalt  }
0x87: {  	_ =	shalt  }
.Lfunc_end0:
.L_simem_size_0:
called_computation_lowered:
.L_overlay_start_0:
0x88: {  	s2 =	sld [smem:$0x3FD9]  }
0x89: {  	s3 =	sld [smem:$0x3FFE];
	_ =	sdelay $0x1  }
0x8a: {  	s1 =	srdreg.scid  }
0x8b: {  	s0 =	sand.u32 $0x1, s1  }
0x8c: {  	s17 =	sshll.u32 s0, $0xA;
	s2 =	sadd.s32 s3, s2  }
0x8d: {  	s2 =	sadd.s32 s2, s17  }
0x8e: {  	[smem:$0x3FC7] =	sst s2  }
0x8f: {  	_ = 	snop  }
0x90: {  	s2 =	sld [smem:$0x3FD0];
	(tm) =	ssettm $0x1  }
0x91: {  	s18 =	sld [smem:$0x3FFB];
	_ =	sdelay $0x3  }
0x92: {  	_ =	strace s18  }
0x93: {  	s3 =	sld [smem:$0x3FFC];
	_ =	sdelay $0x3  }
0x94: {  	_ =	strace s3  }
0x95: {  	s3 =	sld [smem:$0x3FFD];
	_ =	sdelay $0x3  }
0x96: {  	_ =	strace s3  }
0x97: {  	_ =	strace $0x8FFFFFFF  }
0x98: {  	s19 =	sld [smem:$0x3FDB];
	_ =	sdelay $0x1  }
0x99: {  	s4 =	simm.s32 $_scs_section_size  }
0x9a: {  	s5 =	simm.s32 $_size__tile_overlayer_lowered;
	s6 =	simm.s32 $_tile_overlayer_lowered  }
0x9b: {  	s22 =	simm.s32 $0x1BFF;
	s21 =	sshll.u32 s6, $0x1;
	s3 =	sadd.s32 s4, s19  }
0x9c: {  	s7 =	simm.s32 $0x0;
	s20 =	sshll.u32 s5, $0x1;
	s5 =	sadd.s32 s21, s3  }
0x9d: {  	[timem:s7], [sflag:s22] =	dma.local [hbm:s5], s20  }
0x9e: {  	_ =	swait.ge [sflag:s22], s20  }
0x9f: {  	s4 =	ssub.s32 $0x0, s20;
	[sflag:s22] =	ssyncset.done $0x0  }
0xa0: {  	[sflag:s22] =	ssyncadd.s32 s4;
	_ =	sdelay $0x1  }
0xa1: {  	s23 =	simm.s32 $0x1B8B  }
0xa2: {  	_ =	swait.ge [sflag:s23], $0x1  }
0xa3: {  	[sflag:s23] =	ssyncset.done $0x0  }
0xa4: {  	s25 =	simm.s32 $0x1B8E;
	s24 =	sld [smem:$0x3FFE];
	[sflag:s23] =	ssyncadd.s32 $0xFFFFFFFF  }
0xa5: {  	s26 =	simm.s32 $execute0_lowered;
	[smem:$0x3FD2] =	sst s25  }
0xa6: {  	s5 =	sshll.u32 s26, $0x1;
	_ =	strace $0x80000046;
	[dreg:$0x1] =	wrdreg $0xFFFFFFFF  }
0xa7: {  	s28 =	simm.s32 $_size_execute0_lowered;
	s3 =	sadd.s32 s3, s5;
	[dreg:$0x0] =	wrdreg $0x0  }
0xa8: {  	s5 =	sshll.u32 s28, $0x1;
	[dreg:$0x2] =	wrdreg s3  }
0xa9: {  	[dreg:$0x3] =	wrdreg s5  }
0xaa: {  	[dreg:$0x4] =	wrdreg $0xC0  }
0xab: {  	_ =	task [dreg:s7], $0x5FFFF  }
0xac: {  	[dreg:$0x1] =	wrdreg $0xFFFFFFFF  }
0xad: {  	[dreg:$0x0] =	wrdreg $0x60  }
0xae: {  	[dreg:$0x2] =	wrdreg s2  }
0xaf: {  	[dreg:$0x3] =	wrdreg s24  }
0xb0: {  	[dreg:$0x4] =	wrdreg $0x9  }
0xb1: {  	_ =	task.clear_ibuf [dreg:s7], $0x5FFFF;
	_ =	strace $0x90000046  }
0xb2: {  	s29 =	simm.s32 $0x9;
	_ =	strace $0x80000048  }
0xb3: {  	_ =	swait.ge [sflag:s29], $0x1  }
0xb4: {  	[sflag:s29] =	ssyncadd.s32 $0xFFFFFFFF  }
0xb5: {  	_ =	strace $0x90000048  }
0xb6: {  	_ =	sfence  }
0xb7: {  	s30 =	sld [smem:$0x0];
	_ =	sdelay $0x2  }
0xb8: {  	s31 =	sshll.u32 s1, $0xD;
	s1 =	sshrl.u32 s1, $0x2  }
0xb9: {  	s3 =	sand.u32 $0x4000, s31;
	s1 =	sadd.s32 s1, s30  }
0xba: {  	s0 =	sor.u32 s3, s0;
	s1 =	sshll.u32 s1, $0x11  }
0xbb: {  	s0 =	sor.u32 s1, s0  }
0xbc: {  	s0 =	sadd.s32 $0x8F2B, s0  }
0xbd: {  	[sflag:s0] =	ssyncadd.remote.s32 $0x1  }
0xbe: {  	_ =	sfence.sel $0xFFFF  }
0xbf: {  	[dreg:$0x0] =	wrdreg $0xFFFFFFFF;
	(pc) =	sbr.abs _section_cstart, $3  }
0xc0: {  	[dreg:$0x1] =	wrdreg $0xFFFFFFFF  }
0xc1: {  	_ =	task.clear_ibuf [dreg:s7], $0x2FFFF;
	_ =	strace $0x9FFFFFFF  }
0xc2: {  	(tm) =	ssettm $0x7FFFFFFF  }
0xc3: {  	_ =	shalt  }
tec
execute0_lowered:
.L_overlay_start_1:
0x0: {  	(tag) =	ssettag $0x1  }
0x1: {  	v1 =	vlaneseq.u32;
	v0 =	vimm.f32 $0.0e+00;
	v2 =	vimm.s32 $0x2380  }
0x2: {  	vm0 =	vcmask $0x300;
	v3 =	vimm.s32 $0x6380;
	vm1 =	vcmask $0x704  }
0x3: {  	vm15 =	vcmask $0xB08;
	v2 =	vsel vm0, $0x0, v2;
	v3 =	vsel vm0, $0x4000, v3  }
0x4: {  	vm4 =	vcmask $0xF0C;
	v2 =	vsel vm1, $0x80, v2;
	v3 =	vsel vm1, $0x4080, v3  }
0x5: {  	s4 =	rddreg [dreg:$0x0];
	vm5 =	vcmask $0x1310;
	v2 =	vsel vm15, $0x100, v2;
	v3 =	vsel vm15, $0x4100, v3  }
0x6: {  	s3 =	rddreg [dreg:$0x1];
	vm6 =	vcmask $0x1714;
	v2 =	vsel vm4, $0x180, v2;
	v3 =	vsel vm4, $0x4180, v3  }
0x7: {  	s0 =	rddreg [dreg:$0x2];
	vm7 =	vcmask $0x1B18;
	v2 =	vsel vm5, $0x200, v2;
	v3 =	vsel vm5, $0x4200, v3  }
0x8: {  	s2 =	simm.s32 $0x0;
	s5 =	srdreg.scid;
	s1 =	stileid.u32;
	vm8 =	vcmask $0x1F1C;
	v2 =	vsel vm6, $0x280, v2;
	v3 =	vsel vm6, $0x4280, v3  }
0x9: {  	vm9 =	vcmask $0x2320;
	s11 =	simm.s32 $0x8000;
	s12 =	simm.s32 $0x1;
	s13 =	simm.s32 $0x2;
	v2 =	vsel vm7, $0x300, v2;
	v3 =	vsel vm7, $0x4300, v3  }
0xa: {  	vm10 =	vcmask $0x2724;
	s14 =	simm.s32 $0x0;
	[smem:$0x7FF] =	sst s2;
	s5 =	sand.u32 $0x1, s5;
	v2 =	vsel vm8, $0x380, v2;
	v3 =	vsel vm8, $0x4380, v3  }
0xb: {  	vm11 =	vcmask $0x2B28;
	s6 =	sshll.u32 s1, $0x1;
	s8 =	sadd.s32 $0x400, s3;
	s10 =	sshll.u32 s1, $0x14;
	v2 =	vsel vm9, $0x2000, v2;
	v3 =	vsel vm9, $0x6000, v3  }
0xc: {  	vm12 =	vcmask $0x2F2C;
	_ =	strace $0x80000047;
	s7 =	ssub.s32 $0x2, s5;
	s6 =	sor.u32 s5, s6;
	v2 =	vsel vm10, $0x2080, v2;
	v3 =	vsel vm10, $0x6080, v3  }
0xd: {  	vm13 =	vcmask $0x3330;
	s5 =	sshll.u32 s5, $0x13;
	s30 =	sshrl.u32 s7, $0x1;
	s9 =	smul.u32 $0x1A0, s6;
	v2 =	vsel vm11, $0x2100, v2;
	v3 =	vsel vm11, $0x6100, v3  }
0xe: {  	vm14 =	vcmask $0x3734;
	s6 =	sshll.u32 s6, $0x13;
	s31 =	sor.u32 s5, s10;
	s10 =	simm.s32 $0x3;
	v2 =	vsel vm12, $0x2180, v2;
	v3 =	vsel vm12, $0x6180, v3  }
0xf: {  	v1 =	vor.u32 $0x1C60, v1;
	s7 =	ssub.s32 s7, s30;
	s3 =	sadd.s32 s8, s6;
	s8 =	sadd.s32 s31, s8;
	v2 =	vsel vm13, $0x2200, v2;
	v3 =	vsel vm13, $0x6200, v3  }
0x10: {  	vm15 =	vcmask $0x3B38;
	s4 =	sadd.s32 s4, s9;
	s5 =	sadd.s32 $0x1000, s3;
	s6 =	smax.u32 s7, $0x1;
	v2 =	vsel vm14, $0x2280, v2;
	v4 =	vsel vm14, $0x6280, v3  }
0x11: {  	s7 =	sadd.s32 $0x2000, s8;
	s8 =	sadd.s32 $0x3000, s8;
	s9 =	simm.s32 $0x10000;
	v3 =	vimm.f32 $1.000000000e+00;
	v2 =	vsel vm15, $0x2300, v2;
	v4 =	vsel vm15, $0x6300, v4  }
.LBB2_1:
0x12: {  	[tilespmem:s9], [sflag:$0x3] =	stream.linear.gather [hbm4b:s4+s2], $0xD00, $0x38;
	[tilespmem:$0x10D80] =	vst v63  }
0x13: {  	_ =	swait.ge [sflag:s10], $0xD00  }
0x14: {  	[sflag:s10] =	ssyncset.done $0x0  }
0x15: {  	s15 =	simm.s32 $0x0;
	[sflag:s10] =	ssyncadd.s32 $0xFFFFF300  }
.LBB2_2:
0x16: {  	s16 =	sshll.u32 s15, $0xA;
	s17 =	sshll.u32 s15, $0x7  }
0x17: {  	s18 =	sand.u32 $0x6000, s16;
	s17 =	sand.u32 $0x380, s17;
	s16 =	simm.s32 $0x0  }
0x18: {  	s17 =	sor.u32 s18, s17;
	s31 =	sand.u32 $0x1C00, s16  }
0x19: {  	s19 =	sand.u32 $0x70, s16;
	s20 =	sor.u32 s31, s17  }
0x1a: {  	s18 =	simm.s32 $0x10;
	s19 =	sor.u32 s19, s20  }
.LBB2_3:
0x1b: {  	p0 =	sne.s32 s18, $0x3D0  }
0x1c: {  	[tilespmem:s19+$0x0] =	vst v0;
	s16 =	sadd.s32 $0x80, s16;
	s20 =	smov.u32 s18;
	s18 =	sadd.s32 $0x10, s18  }
.Ltmp0:
0x1d: {  	[tilespmem:s19+$0x8000] =	vst v0;
	(pc) =	sbr.rel @p0 .LBB2_3-.Ltmp0, $4  }
0x1e: {  	_ = 	snop  }
0x1f: {  	s19 =	sand.u32 $0x1C00, s16  }
0x20: {  	s20 =	sand.u32 $0x70, s20;
	s19 =	sor.u32 s19, s17  }
0x21: {  	s19 =	sor.u32 s20, s19  }
0x22: {  	v5 =	vmov s15  }
0x23: {  	v6 =	vshll.u32 v5, $0x7  }
0x24: {  	v5 =	vshll.u32 v5, $0xA;
	v6 =	vand.u32 $0x380, v6  }
0x25: {  	v5 =	vor.u32 v6, v5  }
0x26: {  	s15 =	sadd.s32 $0x1, s15;
	v5 =	vor.u32 v1, v5  }
0x27: {  	p0 =	sne.s32 s15, $0x1A  }
.Ltmp1:
0x28: {  	_ = 	snop;
	(pc) =	sbr.rel @p0 .LBB2_2-.Ltmp1, $4  }
0x29: {  	[tilespmem:s19+$0x0] =	vst v0  }
0x2a: {  	[tilespmem:s19+$0x8000] =	vst v0  }
0x2b: {  	[tilespmem:v5+s2+$0x0] =	vst.idx.msk $0xff, v0  }
0x2c: {  	[tilespmem:v5+s11+$0x0] =	vst.idx.msk $0xff, v0  }
0x2d: {  	v5 =	vld [tilespmem:$0x10000];
	_ =	sdelay $0x4  }
0x2e: {  	v6 =	vshll.u32 v5, $0x3  }
0x2f: {  	v5 =	vand.u32 $0x7F, v5;
	v6 =	vand.u32 $0xFFFFFC00, v6  }
0x30: {  	v5 =	vor.u32 v5, v6  }
0x31: {  	v5 =	vadd.s32 v2, v5;
	_ =	sdelay $0x3  }
0x32: {  	s15 =	simm.s32 $0x0  }
0x33: {  	[tilespmem:v5+s15+$0x0] =	vst.idx.msk $0xffff, v3  }
0x34: {  	v5 =	vld [tilespmem:$0x10010];
	_ =	sdelay $0x4  }
0x35: {  	v6 =	vshll.u32 v5, $0x3  }
0x36: {  	v5 =	vand.u32 $0x7F, v5;
	v6 =	vand.u32 $0xFFFFFC00, v6  }
0x37: {  	v5 =	vor.u32 v5, v6  }
0x38: {  	v5 =	vadd.s32 v4, v5;
	_ =	sdelay $0x4  }
0x39: {  	[tilespmem:v5+s15+$0x0] =	vst.idx.msk $0x3ff, v3  }
0x3a: {  	[hbm4b:s3+s15] =	stream.linear.scatter [tilespmem:s15], [sflag:$0x1], $0x8000, $0x38;
	[tilespmem:$0x10D80] =	vst v63  }
0x3b: {  	v5 =	vld [tilespmem:$0x1001A];
	_ =	sdelay $0x4  }
0x3c: {  	v6 =	vshll.u32 v5, $0x3  }
0x3d: {  	v5 =	vand.u32 $0x7F, v5;
	v6 =	vand.u32 $0xFFFFFC00, v6  }
0x3e: {  	v5 =	vor.u32 v5, v6  }
0x3f: {  	v5 =	vadd.s32 v2, v5;
	_ =	sdelay $0x4  }
0x40: {  	[tilespmem:v5+s11+$0x0] =	vst.idx.msk $0xffff, v3  }
0x41: {  	v5 =	vld [tilespmem:$0x1002A];
	_ =	sdelay $0x4  }
0x42: {  	v6 =	vshll.u32 v5, $0x3  }
0x43: {  	v5 =	vand.u32 $0x7F, v5;
	v6 =	vand.u32 $0xFFFFFC00, v6  }
0x44: {  	v5 =	vor.u32 v5, v6  }
0x45: {  	v5 =	vadd.s32 v4, v5;
	_ =	sdelay $0x4  }
0x46: {  	s16 =	simm.s32 $0x10034;
	[tilespmem:v5+s11+$0x0] =	vst.idx.msk $0x3ff, v3  }
0x47: {  	[hbm4b:s5+s15] =	stream.linear.scatter [tilespmem:s11], [sflag:$0x2], $0x8000, $0x38;
	[tilespmem:$0x10D80] =	vst v63  }
.LBB2_6:
0x48: {  	_ =	swait.ge [sflag:s12], $0x8000  }
0x49: {  	[sflag:s12] =	ssyncset.done $0x0  }
0x4a: {  	[sflag:s12] =	ssyncadd.s32 $0xFFFF8000  }
0x4b: {  	v5 =	vld [tilespmem:s16+$0xFFFFFFCC];
	_ =	sdelay $0x4  }
0x4c: {  	v6 =	vshll.u32 v5, $0x3  }
0x4d: {  	v5 =	vand.u32 $0x7F, v5;
	v6 =	vand.u32 $0xFFFFFC00, v6  }
0x4e: {  	v5 =	vor.u32 v5, v6  }
0x4f: {  	v5 =	vadd.s32 v2, v5;
	_ =	sdelay $0x4  }
0x50: {  	[tilespmem:v5+s2+$0x0] =	vst.idx.msk $0xffff, v0  }
0x51: {  	v5 =	vld [tilespmem:s16+$0xFFFFFFDC];
	_ =	sdelay $0x4  }
0x52: {  	v6 =	vshll.u32 v5, $0x3  }
0x53: {  	v5 =	vand.u32 $0x7F, v5;
	v6 =	vand.u32 $0xFFFFFC00, v6  }
0x54: {  	v5 =	vor.u32 v5, v6  }
0x55: {  	v5 =	vadd.s32 v4, v5;
	_ =	sdelay $0x4  }
0x56: {  	[tilespmem:v5+s2+$0x0] =	vst.idx.msk $0x3ff, v0  }
0x57: {  	v5 =	vld [tilespmem:s16+$0x0];
	_ =	sdelay $0x4  }
0x58: {  	v6 =	vshll.u32 v5, $0x3  }
0x59: {  	v5 =	vand.u32 $0x7F, v5;
	v6 =	vand.u32 $0xFFFFFC00, v6  }
0x5a: {  	v5 =	vor.u32 v5, v6  }
0x5b: {  	v5 =	vadd.s32 v2, v5;
	_ =	sdelay $0x4  }
0x5c: {  	[tilespmem:v5+s2+$0x0] =	vst.idx.msk $0xffff, v3  }
0x5d: {  	v5 =	vld [tilespmem:s16+$0x10];
	_ =	sdelay $0x4  }
0x5e: {  	v6 =	vshll.u32 v5, $0x3  }
0x5f: {  	v5 =	vand.u32 $0x7F, v5;
	v6 =	vand.u32 $0xFFFFFC00, v6  }
0x60: {  	v5 =	vor.u32 v5, v6  }
0x61: {  	v5 =	vadd.s32 v4, v5;
	_ =	sdelay $0x4  }
0x62: {  	s17 =	sadd.s32 s15, s7;
	[tilespmem:v5+s2+$0x0] =	vst.idx.msk $0x3ff, v3  }
0x63: {  	[hbm4b:s17+s2] =	stream.linear.scatter [tilespmem:s2], [sflag:$0x1], $0x8000, $0x38;
	[tilespmem:$0x10D80] =	vst v63  }
0x64: {  	_ =	swait.ge [sflag:s13], $0x8000  }
0x65: {  	[sflag:s13] =	ssyncset.done $0x0  }
0x66: {  	[sflag:s13] =	ssyncadd.s32 $0xFFFF8000  }
0x67: {  	v5 =	vld [tilespmem:s16+$0xFFFFFFE6];
	_ =	sdelay $0x4  }
0x68: {  	v6 =	vshll.u32 v5, $0x3  }
0x69: {  	v5 =	vand.u32 $0x7F, v5;
	v6 =	vand.u32 $0xFFFFFC00, v6  }
0x6a: {  	v5 =	vor.u32 v5, v6  }
0x6b: {  	v5 =	vadd.s32 v2, v5;
	_ =	sdelay $0x4  }
0x6c: {  	[tilespmem:v5+s11+$0x0] =	vst.idx.msk $0xffff, v0  }
0x6d: {  	v5 =	vld [tilespmem:s16+$0xFFFFFFF6];
	_ =	sdelay $0x4  }
0x6e: {  	v6 =	vshll.u32 v5, $0x3  }
0x6f: {  	v5 =	vand.u32 $0x7F, v5;
	v6 =	vand.u32 $0xFFFFFC00, v6  }
0x70: {  	v5 =	vor.u32 v5, v6  }
0x71: {  	v5 =	vadd.s32 v4, v5;
	_ =	sdelay $0x4  }
0x72: {  	[tilespmem:v5+s11+$0x0] =	vst.idx.msk $0x3ff, v0  }
0x73: {  	v5 =	vld [tilespmem:s16+$0x1A];
	_ =	sdelay $0x4  }
0x74: {  	v6 =	vshll.u32 v5, $0x3  }
0x75: {  	v5 =	vand.u32 $0x7F, v5;
	v6 =	vand.u32 $0xFFFFFC00, v6  }
0x76: {  	v5 =	vor.u32 v5, v6  }
0x77: {  	v5 =	vadd.s32 v2, v5;
	_ =	sdelay $0x4  }
0x78: {  	[tilespmem:v5+s11+$0x0] =	vst.idx.msk $0xffff, v3  }
0x79: {  	v5 =	vld [tilespmem:s16+$0x2A];
	_ =	sdelay $0x4  }
0x7a: {  	v6 =	vshll.u32 v5, $0x3  }
0x7b: {  	v5 =	vand.u32 $0x7F, v5;
	v6 =	vand.u32 $0xFFFFFC00, v6  }
0x7c: {  	v5 =	vor.u32 v5, v6  }
0x7d: {  	v5 =	vadd.s32 v4, v5  }
0x7e: {  	p0 =	sne.s32 s15, $0x7C000  }
.Ltmp2:
0x7f: {  	_ = 	snop;
	(pc) =	sbr.rel @p0 .LBB2_6-.Ltmp2, $3  }
0x80: {  	_ =	sdelay $0x1  }
0x81: {  	s31 =	sadd.s32 s15, s8;
	s15 =	sadd.s32 $0x2000, s15;
	s16 =	sadd.s32 $0x34, s16;
	[tilespmem:v5+s11+$0x0] =	vst.idx.msk $0x3ff, v3  }
0x82: {  	[hbm4b:s31+s2] =	stream.linear.scatter [tilespmem:s11], [sflag:$0x2], $0x8000, $0x38;
	[tilespmem:$0x10D80] =	vst v63  }
0x83: {  	s14 =	sadd.s32 $0x1, s14  }
0x84: {  	_ =	swait.ge [sflag:s12], $0x8000;
	p0 =	sne.s32 s14, s6  }
.Ltmp3:
0x85: {  	[sflag:s12] =	ssyncset.done $0x0;
	(pc) =	sbr.rel @p0 .LBB2_1-.Ltmp3, $4  }
0x86: {  	[sflag:s12] =	ssyncadd.s32 $0xFFFF8000  }
0x87: {  	_ =	swait.ge [sflag:s13], $0x8000  }
0x88: {  	[sflag:s13] =	ssyncset.done $0x0  }
0x89: {  	[sflag:s13] =	ssyncadd.s32 $0xFFFF8000  }
0x8a: {  	_ =	sfence.sel $0x180000  }
0x8b: {  	[bflag:$0x0] =	sbarrier.arrive $0xFFFF  }
0x8c: {  	p0 =	sne.s32 s1, $0x0;
	_ =	strace $0x90000047  }
0x8d: {  	s0 =	sadd.s32 @!p0 $0x100000, s0;
	[bflag:$0x2] =	sbarrier.arrive $0xFFFF  }
0x8e: {  	[sflag:s0] =	ssyncadd.tile.s32 @!p0 $0x1;
	_ =	shalt  }
.Lfunc_end2:
_tile_overlayer_lowered:
.L_overlay_start_2:
0x8f: {  	(tag) =	ssettag $0x2  }
0x90: {  	s0 =	rddreg [dreg:$0x0];
	s2 =	stileid.u32  }
0x91: {  	s1 =	rddreg [dreg:$0x1];
	p0 =	sne.s32 s2, $0x0  }
0x92: {  	s3 =	rddreg [dreg:$0x2];
	[bflag:$0x3] =	sbarrier.arrive $0xFFFF;
	s2 =	simm.s32 @!p0 $0x1C03  }
0x93: {  	[timem:s3], [sflag:s2] =	dma.local @!p0 [hbm:s0], s1  }
0x94: {  	s0 =	simm.s32 @!p0 $0x3  }
0x95: {  	_ =	swait.ge @!p0 [sflag:s0], s1  }
0x96: {  	s1 =	ssub.s32 @!p0 $0x0, s1;
	[sflag:s0] =	ssyncset.done @!p0 $0x0  }
0x97: {  	[sflag:s0] =	ssyncadd.s32 @!p0 s1  }
0x98: {  	[bflag:$0x3] =	sbarrier.arrive $0xFFFF  }
0x99: {  	_ =	shalt  }

</sc_bundles>
